<compile_context>
chip_gen: v7x
topology: tpu7x:2x2x1
jax: 0.10.2.dev20260603
libtpu: 0.0.44.dev20260713+nightly
codegen_flags: <defaults>
</compile_context>

<pallas_src>
import jax
import jax.numpy as jnp
from jax import lax
from jax.experimental import pallas as pl
from jax.experimental.pallas import tpu as pltpu
from jax.experimental.pallas import tpu_sc as plsc

B = 4
SEQ_LEN = 8192
D = 768

_SC_ROWS = 4096
_TC_ROWS = B * SEQ_LEN - _SC_ROWS
_ROW0 = B * SEQ_LEN - _SC_ROWS
_TROW0 = _ROW0 - (B - 1) * SEQ_LEN

_NC = 2
_NS = 16
_NW = _NC * _NS

_ROWS_PER_W = _SC_ROWS // _NW
_R_CHUNK = 32
_CH = _R_CHUNK * D
_N_CHUNKS = _ROWS_PER_W // _R_CHUNK
_N_VEC = _CH // 16

_S_BLK = 512


def _sc_add(in_hbm, tab_hbm, out_hbm,
            t_v0, t_v1, x_v0, x_v1,
            sem_t0, sem_t1, sem_i0, sem_i1, sem_o0, sem_o1):
    t_v = (t_v0, t_v1)
    x_v = (x_v0, x_v1)
    sem_t = (sem_t0, sem_t1)
    sem_i = (sem_i0, sem_i1)
    sem_o = (sem_o0, sem_o1)

    wid = lax.axis_index("s") * _NC + lax.axis_index("c")
    base = wid * _ROWS_PER_W * D

    in_flight = {}
    out_flight = {}

    def fire_chunk(c, buf):
        off = base + c * _CH
        in_flight[buf] = [
            pltpu.async_copy(tab_hbm.at[pl.ds(_TROW0 * D + off, _CH)],
                             t_v[buf], sem_t[buf]),
            pltpu.async_copy(in_hbm.at[pl.ds(_ROW0 * D + off, _CH)],
                             x_v[buf], sem_i[buf]),
        ]

    fire_chunk(0, 0)
    for c in range(_N_CHUNKS):
        cur = c % 2
        nxt = 1 - cur
        if c + 1 < _N_CHUNKS:
            for h in out_flight.pop(nxt, []):
                h.wait()
            fire_chunk(c + 1, nxt)
        for h in in_flight.pop(cur):
            h.wait()

        def _body(i, cur=cur):
            sl = pl.ds(i * 16, 16)
            plsc.addupdate(x_v[cur].at[sl], t_v[cur][sl])

        plsc.parallel_loop(0, _N_VEC, 1, unroll=8)(_body)
        out_flight[cur] = [pltpu.async_copy(
            x_v[cur], out_hbm.at[pl.ds(base + c * _CH, _CH)], sem_o[cur])]
    for hs in out_flight.values():
        for h in hs:
            h.wait()


def _sc_call(in_flat, tab_flat):
    mesh = plsc.VectorSubcoreMesh(core_axis_name="c", subcore_axis_name="s")
    return pl.kernel(
        _sc_add,
        mesh=mesh,
        out_type=jax.ShapeDtypeStruct((_SC_ROWS * D,), jnp.float32),
        scratch_types=[
            pltpu.VMEM((_CH,), jnp.float32),
            pltpu.VMEM((_CH,), jnp.float32),
            pltpu.VMEM((_CH,), jnp.float32),
            pltpu.VMEM((_CH,), jnp.float32),
            pltpu.SemaphoreType.DMA,
            pltpu.SemaphoreType.DMA,
            pltpu.SemaphoreType.DMA,
            pltpu.SemaphoreType.DMA,
            pltpu.SemaphoreType.DMA,
            pltpu.SemaphoreType.DMA,
        ],
    )(in_flat, tab_flat)


def _tc_body(x_ref, p_ref, o_ref):
    o_ref[...] = x_ref[...] + p_ref[...]


def _tc_call(in_rows, pos_table):
    n_tab_blocks = SEQ_LEN // _S_BLK
    return pl.pallas_call(
        _tc_body,
        grid=(_TC_ROWS // _S_BLK,),
        in_specs=[
            pl.BlockSpec((_S_BLK, D), lambda i: (i, 0)),
            pl.BlockSpec((_S_BLK, D), lambda i: (i % n_tab_blocks, 0)),
        ],
        out_specs=pl.BlockSpec((_S_BLK, D), lambda i: (i, 0)),
        out_shape=jax.ShapeDtypeStruct((_TC_ROWS, D), jnp.float32),
        compiler_params=pltpu.CompilerParams(
            dimension_semantics=("arbitrary",),
        ),
    )(in_rows, pos_table)


def kernel(inputs, pos_table):
    in_rows = inputs.reshape(B * SEQ_LEN, D)
    sc_out = _sc_call(inputs.reshape(-1), pos_table.reshape(-1))
    tc_out = _tc_call(in_rows, pos_table)
    out = jnp.concatenate([tc_out, sc_out.reshape(_SC_ROWS, D)], axis=0)
    return out.reshape(B, SEQ_LEN, D)

# --- scband reference (transcript-rebuilt; emitter-appended) ---
"""Pipeline reference for scband-positional-embedding-61014305407010 (READ-ONLY COPY).

The authoritative reference and input builder live on the scoring server;
editing this copy changes nothing except your own understanding.
"""

import jax, jax.numpy as jnp
import numpy as np

SEQ_LEN = 8192
D = 768
B = 4

def setup_inputs(seed: int = 0) -> dict:
    key = jax.random.key(seed)
    k1, k2 = jax.random.split(key)
    inputs = jax.random.normal(k1, (B, SEQ_LEN, D), dtype=jnp.float32)
    # Embedding table for positions, Keras default uniform init
    pos_table = jax.random.uniform(k2, (SEQ_LEN, D), dtype=jnp.float32, minval=-0.05, maxval=0.05)
    return {"inputs": inputs, "pos_table": pos_table}

def reference(inputs, pos_table):
    positions = jnp.arange(SEQ_LEN)
    pos_emb = jnp.take(pos_table, positions, axis=0)  # [SEQ_LEN, D]
    return inputs + pos_emb[None, :, :]

if __name__ == "__main__":
    import jax
    _d = setup_inputs()
    print(jax.jit(kernel)(*tuple(_d.values())))

</pallas_src>

<mosaic_0001>
#map = affine_map<(d0, d1) -> (0)>
module attributes {stable_mosaic.version = 14 : i64} {
  func.func @_sc_add(%arg0: i32, %arg1: i32, %arg2: memref<25165824xf32, #tpu.memory_space<hbm>>, %arg3: memref<6291456xf32, #tpu.memory_space<hbm>>, %arg4: memref<3145728xf32, #tpu.memory_space<hbm>>, %arg5: memref<24576xf32, #tpu.memory_space<vmem>>, %arg6: memref<24576xf32, #tpu.memory_space<vmem>>, %arg7: memref<24576xf32, #tpu.memory_space<vmem>>, %arg8: memref<24576xf32, #tpu.memory_space<vmem>>, %arg9: memref<!tpu.dma_semaphore, #tpu.memory_space<semaphore_mem>>, %arg10: memref<!tpu.dma_semaphore, #tpu.memory_space<semaphore_mem>>, %arg11: memref<!tpu.dma_semaphore, #tpu.memory_space<semaphore_mem>>, %arg12: memref<!tpu.dma_semaphore, #tpu.memory_space<semaphore_mem>>, %arg13: memref<!tpu.dma_semaphore, #tpu.memory_space<semaphore_mem>>, %arg14: memref<!tpu.dma_semaphore, #tpu.memory_space<semaphore_mem>>) attributes {dimension_semantics = [#tpu.dimension_semantics<core_parallel>, #tpu.dimension_semantics<subcore_parallel>], iteration_bounds = array<i64: 2, 16>, scalar_prefetch = 0 : i64, scratch_operands = 10 : i64, tpu.core_type = #tpu.core_type<sc_vector_subcore>, window_params = [{transform_indices = #map}, {transform_indices = #map}, {transform_indices = #map}]} {
    %mul3A = arith.constant 2 : i32
    %mul3A_0 = arith.muli %arg1, %mul3A : i32
    %add3A = arith.addi %mul3A_0, %arg0 : i32
    %mul3A_1 = arith.constant 128 : i32
    %mul3A_2 = arith.muli %add3A, %mul3A_1 : i32
    %mul3A_3 = arith.constant 768 : i32
    %mul3A_4 = arith.muli %mul3A_2, %mul3A_3 : i32
    %add3A_5 = arith.constant 0 : i32
    %add3A_6 = arith.addi %mul3A_4, %add3A_5 : i32
    %add3A_7 = arith.constant 3145728 : i32
    %add3A_8 = arith.addi %add3A_7, %add3A_6 : i32
    %dma_start3A = tpu.memref_slice %arg3[%add3A_8] : memref<6291456xf32, #tpu.memory_space<hbm>> -> memref<24576xf32, #tpu.memory_space<hbm>>
    %dma_start3A_9 = tpu.memref_slice %arg3[%add3A_8] : memref<6291456xf32, #tpu.memory_space<hbm>> -> memref<24576xf32, #tpu.memory_space<hbm>>
    tpu.enqueue_dma source(%dma_start3A_9 : memref<24576xf32, #tpu.memory_space<hbm>>) target(%arg5 : memref<24576xf32, #tpu.memory_space<vmem>>) target_semaphore(%arg9 : memref<!tpu.dma_semaphore, #tpu.memory_space<semaphore_mem>>)
    %add3A_10 = arith.constant 22020096 : i32
    %add3A_11 = arith.addi %add3A_10, %add3A_6 : i32
    %dma_start3A_12 = tpu.memref_slice %arg2[%add3A_11] : memref<25165824xf32, #tpu.memory_space<hbm>> -> memref<24576xf32, #tpu.memory_space<hbm>>
    %dma_start3A_13 = tpu.memref_slice %arg2[%add3A_11] : memref<25165824xf32, #tpu.memory_space<hbm>> -> memref<24576xf32, #tpu.memory_space<hbm>>
    tpu.enqueue_dma source(%dma_start3A_13 : memref<24576xf32, #tpu.memory_space<hbm>>) target(%arg7 : memref<24576xf32, #tpu.memory_space<vmem>>) target_semaphore(%arg11 : memref<!tpu.dma_semaphore, #tpu.memory_space<semaphore_mem>>)
    %add3A_14 = arith.constant 24576 : i32
    %add3A_15 = arith.addi %mul3A_4, %add3A_14 : i32
    %add3A_16 = arith.constant 3145728 : i32
    %add3A_17 = arith.addi %add3A_16, %add3A_15 : i32
    %dma_start3A_18 = tpu.memref_slice %arg3[%add3A_17] : memref<6291456xf32, #tpu.memory_space<hbm>> -> memref<24576xf32, #tpu.memory_space<hbm>>
    %dma_start3A_19 = tpu.memref_slice %arg3[%add3A_17] : memref<6291456xf32, #tpu.memory_space<hbm>> -> memref<24576xf32, #tpu.memory_space<hbm>>
    tpu.enqueue_dma source(%dma_start3A_19 : memref<24576xf32, #tpu.memory_space<hbm>>) target(%arg6 : memref<24576xf32, #tpu.memory_space<vmem>>) target_semaphore(%arg10 : memref<!tpu.dma_semaphore, #tpu.memory_space<semaphore_mem>>)
    %add3A_20 = arith.constant 22020096 : i32
    %add3A_21 = arith.addi %add3A_20, %add3A_15 : i32
    %dma_start3A_22 = tpu.memref_slice %arg2[%add3A_21] : memref<25165824xf32, #tpu.memory_space<hbm>> -> memref<24576xf32, #tpu.memory_space<hbm>>
    %dma_start3A_23 = tpu.memref_slice %arg2[%add3A_21] : memref<25165824xf32, #tpu.memory_space<hbm>> -> memref<24576xf32, #tpu.memory_space<hbm>>
    tpu.enqueue_dma source(%dma_start3A_23 : memref<24576xf32, #tpu.memory_space<hbm>>) target(%arg8 : memref<24576xf32, #tpu.memory_space<vmem>>) target_semaphore(%arg12 : memref<!tpu.dma_semaphore, #tpu.memory_space<semaphore_mem>>)
    %dma_wait3A = tpu.memref_slice %arg3[%add3A_8] : memref<6291456xf32, #tpu.memory_space<hbm>> -> memref<24576xf32, #tpu.memory_space<hbm>>
    %dma_wait3A_24 = tpu.memref_slice %arg3[%add3A_8] : memref<6291456xf32, #tpu.memory_space<hbm>> -> memref<24576xf32, #tpu.memory_space<hbm>>
    tpu.wait_dma2 semaphore(%arg9 : memref<!tpu.dma_semaphore, #tpu.memory_space<semaphore_mem>>) src(%dma_wait3A_24 : memref<24576xf32, #tpu.memory_space<hbm>>) dst(%arg5 : memref<24576xf32, #tpu.memory_space<vmem>>)
    %dma_wait3A_25 = tpu.memref_slice %arg2[%add3A_11] : memref<25165824xf32, #tpu.memory_space<hbm>> -> memref<24576xf32, #tpu.memory_space<hbm>>
    %dma_wait3A_26 = tpu.memref_slice %arg2[%add3A_11] : memref<25165824xf32, #tpu.memory_space<hbm>> -> memref<24576xf32, #tpu.memory_space<hbm>>
    tpu.wait_dma2 semaphore(%arg11 : memref<!tpu.dma_semaphore, #tpu.memory_space<semaphore_mem>>) src(%dma_wait3A_26 : memref<24576xf32, #tpu.memory_space<hbm>>) dst(%arg7 : memref<24576xf32, #tpu.memory_space<vmem>>)
    %parallel_loop3A = arith.constant 0 : i32
    %parallel_loop3A_27 = arith.constant 1536 : i32
    %parallel_loop3A_28 = arith.constant 1 : i32
    scf.for %parallel_loop3A_94 = %parallel_loop3A to %parallel_loop3A_27 step %parallel_loop3A_28  : i32 {
      %parallel_loop3A_95 = arith.constant 16 : i32
      %parallel_loop3A_96 = arith.muli %parallel_loop3A_94, %parallel_loop3A_95 : i32
      %parallel_loop3A_97 = arith.index_cast %parallel_loop3A_96 : i32 to index
      %parallel_loop3A_98 = tpu.vector_load %arg5[%parallel_loop3A_97] {strides = array<i32>} : memref<24576xf32, #tpu.memory_space<vmem>>, vector<16xf32>,
      %parallel_loop3A_99 = vector.shape_cast %parallel_loop3A_98 : vector<16xf32> to vector<16xf32>
      %parallel_loop3A_100 = arith.index_cast %parallel_loop3A_96 : i32 to index
      %parallel_loop3A_101 = tpu.vector_load %arg7[%parallel_loop3A_100] {strides = array<i32>} : memref<24576xf32, #tpu.memory_space<vmem>>, vector<16xf32>,
      %parallel_loop3A_102 = vector.shape_cast %parallel_loop3A_101 : vector<16xf32> to vector<16xf32>
      %parallel_loop3A_103 = vector.shape_cast %parallel_loop3A_99 : vector<16xf32> to vector<16xf32>
      tpu.vector_store %arg7[%parallel_loop3A_100], %parallel_loop3A_103 {add = true, strides = array<i32>} : memref<24576xf32, #tpu.memory_space<vmem>>, vector<16xf32>,
    } {sc.loop_unroll_factor = 8 : i64, sc.parallel_access}
    %add3A_29 = arith.constant 0 : i32
    %add3A_30 = arith.addi %mul3A_4, %add3A_29 : i32
    %dma_start3A_31 = tpu.memref_slice %arg4[%add3A_30] : memref<3145728xf32, #tpu.memory_space<hbm>> -> memref<24576xf32, #tpu.memory_space<hbm>>
    %dma_start3A_32 = tpu.memref_slice %arg4[%add3A_30] : memref<3145728xf32, #tpu.memory_space<hbm>> -> memref<24576xf32, #tpu.memory_space<hbm>>
    tpu.enqueue_dma source(%arg7 : memref<24576xf32, #tpu.memory_space<vmem>>) target(%dma_start3A_32 : memref<24576xf32, #tpu.memory_space<hbm>>) target_semaphore(%arg13 : memref<!tpu.dma_semaphore, #tpu.memory_space<semaphore_mem>>)
    %dma_wait3A_33 = tpu.memref_slice %arg4[%add3A_30] : memref<3145728xf32, #tpu.memory_space<hbm>> -> memref<24576xf32, #tpu.memory_space<hbm>>
    %dma_wait3A_34 = tpu.memref_slice %arg4[%add3A_30] : memref<3145728xf32, #tpu.memory_space<hbm>> -> memref<24576xf32, #tpu.memory_space<hbm>>
    tpu.wait_dma2 semaphore(%arg13 : memref<!tpu.dma_semaphore, #tpu.memory_space<semaphore_mem>>) src(%arg7 : memref<24576xf32, #tpu.memory_space<vmem>>) dst(%dma_wait3A_34 : memref<24576xf32, #tpu.memory_space<hbm>>)
    %add3A_35 = arith.constant 49152 : i32
    %add3A_36 = arith.addi %mul3A_4, %add3A_35 : i32
    %add3A_37 = arith.constant 3145728 : i32
    %add3A_38 = arith.addi %add3A_37, %add3A_36 : i32
    %dma_start3A_39 = tpu.memref_slice %arg3[%add3A_38] : memref<6291456xf32, #tpu.memory_space<hbm>> -> memref<24576xf32, #tpu.memory_space<hbm>>
    %dma_start3A_40 = tpu.memref_slice %arg3[%add3A_38] : memref<6291456xf32, #tpu.memory_space<hbm>> -> memref<24576xf32, #tpu.memory_space<hbm>>
    tpu.enqueue_dma source(%dma_start3A_40 : memref<24576xf32, #tpu.memory_space<hbm>>) target(%arg5 : memref<24576xf32, #tpu.memory_space<vmem>>) target_semaphore(%arg9 : memref<!tpu.dma_semaphore, #tpu.memory_space<semaphore_mem>>)
    %add3A_41 = arith.constant 22020096 : i32
    %add3A_42 = arith.addi %add3A_41, %add3A_36 : i32
    %dma_start3A_43 = tpu.memref_slice %arg2[%add3A_42] : memref<25165824xf32, #tpu.memory_space<hbm>> -> memref<24576xf32, #tpu.memory_space<hbm>>
    %dma_start3A_44 = tpu.memref_slice %arg2[%add3A_42] : memref<25165824xf32, #tpu.memory_space<hbm>> -> memref<24576xf32, #tpu.memory_space<hbm>>
    tpu.enqueue_dma source(%dma_start3A_44 : memref<24576xf32, #tpu.memory_space<hbm>>) target(%arg7 : memref<24576xf32, #tpu.memory_space<vmem>>) target_semaphore(%arg11 : memref<!tpu.dma_semaphore, #tpu.memory_space<semaphore_mem>>)
    %dma_wait3A_45 = tpu.memref_slice %arg3[%add3A_17] : memref<6291456xf32, #tpu.memory_space<hbm>> -> memref<24576xf32, #tpu.memory_space<hbm>>
    %dma_wait3A_46 = tpu.memref_slice %arg3[%add3A_17] : memref<6291456xf32, #tpu.memory_space<hbm>> -> memref<24576xf32, #tpu.memory_space<hbm>>
    tpu.wait_dma2 semaphore(%arg10 : memref<!tpu.dma_semaphore, #tpu.memory_space<semaphore_mem>>) src(%dma_wait3A_46 : memref<24576xf32, #tpu.memory_space<hbm>>) dst(%arg6 : memref<24576xf32, #tpu.memory_space<vmem>>)
    %dma_wait3A_47 = tpu.memref_slice %arg2[%add3A_21] : memref<25165824xf32, #tpu.memory_space<hbm>> -> memref<24576xf32, #tpu.memory_space<hbm>>
    %dma_wait3A_48 = tpu.memref_slice %arg2[%add3A_21] : memref<25165824xf32, #tpu.memory_space<hbm>> -> memref<24576xf32, #tpu.memory_space<hbm>>
    tpu.wait_dma2 semaphore(%arg12 : memref<!tpu.dma_semaphore, #tpu.memory_space<semaphore_mem>>) src(%dma_wait3A_48 : memref<24576xf32, #tpu.memory_space<hbm>>) dst(%arg8 : memref<24576xf32, #tpu.memory_space<vmem>>)
    %parallel_loop3A_49 = arith.constant 0 : i32
    %parallel_loop3A_50 = arith.constant 1536 : i32
    %parallel_loop3A_51 = arith.constant 1 : i32
    scf.for %parallel_loop3A_94 = %parallel_loop3A_49 to %parallel_loop3A_50 step %parallel_loop3A_51  : i32 {
      %parallel_loop3A_95 = arith.constant 16 : i32
      %parallel_loop3A_96 = arith.muli %parallel_loop3A_94, %parallel_loop3A_95 : i32
      %parallel_loop3A_97 = arith.index_cast %parallel_loop3A_96 : i32 to index
      %parallel_loop3A_98 = tpu.vector_load %arg6[%parallel_loop3A_97] {strides = array<i32>} : memref<24576xf32, #tpu.memory_space<vmem>>, vector<16xf32>,
      %parallel_loop3A_99 = vector.shape_cast %parallel_loop3A_98 : vector<16xf32> to vector<16xf32>
      %parallel_loop3A_100 = arith.index_cast %parallel_loop3A_96 : i32 to index
      %parallel_loop3A_101 = tpu.vector_load %arg8[%parallel_loop3A_100] {strides = array<i32>} : memref<24576xf32, #tpu.memory_space<vmem>>, vector<16xf32>,
      %parallel_loop3A_102 = vector.shape_cast %parallel_loop3A_101 : vector<16xf32> to vector<16xf32>
      %parallel_loop3A_103 = vector.shape_cast %parallel_loop3A_99 : vector<16xf32> to vector<16xf32>
      tpu.vector_store %arg8[%parallel_loop3A_100], %parallel_loop3A_103 {add = true, strides = array<i32>} : memref<24576xf32, #tpu.memory_space<vmem>>, vector<16xf32>,
    } {sc.loop_unroll_factor = 8 : i64, sc.parallel_access}
    %add3A_52 = arith.constant 24576 : i32
    %add3A_53 = arith.addi %mul3A_4, %add3A_52 : i32
    %dma_start3A_54 = tpu.memref_slice %arg4[%add3A_53] : memref<3145728xf32, #tpu.memory_space<hbm>> -> memref<24576xf32, #tpu.memory_space<hbm>>
    %dma_start3A_55 = tpu.memref_slice %arg4[%add3A_53] : memref<3145728xf32, #tpu.memory_space<hbm>> -> memref<24576xf32, #tpu.memory_space<hbm>>
    tpu.enqueue_dma source(%arg8 : memref<24576xf32, #tpu.memory_space<vmem>>) target(%dma_start3A_55 : memref<24576xf32, #tpu.memory_space<hbm>>) target_semaphore(%arg14 : memref<!tpu.dma_semaphore, #tpu.memory_space<semaphore_mem>>)
    %dma_wait3A_56 = tpu.memref_slice %arg4[%add3A_53] : memref<3145728xf32, #tpu.memory_space<hbm>> -> memref<24576xf32, #tpu.memory_space<hbm>>
    %dma_wait3A_57 = tpu.memref_slice %arg4[%add3A_53] : memref<3145728xf32, #tpu.memory_space<hbm>> -> memref<24576xf32, #tpu.memory_space<hbm>>
    tpu.wait_dma2 semaphore(%arg14 : memref<!tpu.dma_semaphore, #tpu.memory_space<semaphore_mem>>) src(%arg8 : memref<24576xf32, #tpu.memory_space<vmem>>) dst(%dma_wait3A_57 : memref<24576xf32, #tpu.memory_space<hbm>>)
    %add3A_58 = arith.constant 73728 : i32
    %add3A_59 = arith.addi %mul3A_4, %add3A_58 : i32
    %add3A_60 = arith.constant 3145728 : i32
    %add3A_61 = arith.addi %add3A_60, %add3A_59 : i32
    %dma_start3A_62 = tpu.memref_slice %arg3[%add3A_61] : memref<6291456xf32, #tpu.memory_space<hbm>> -> memref<24576xf32, #tpu.memory_space<hbm>>
    %dma_start3A_63 = tpu.memref_slice %arg3[%add3A_61] : memref<6291456xf32, #tpu.memory_space<hbm>> -> memref<24576xf32, #tpu.memory_space<hbm>>
    tpu.enqueue_dma source(%dma_start3A_63 : memref<24576xf32, #tpu.memory_space<hbm>>) target(%arg6 : memref<24576xf32, #tpu.memory_space<vmem>>) target_semaphore(%arg10 : memref<!tpu.dma_semaphore, #tpu.memory_space<semaphore_mem>>)
    %add3A_64 = arith.constant 22020096 : i32
    %add3A_65 = arith.addi %add3A_64, %add3A_59 : i32
    %dma_start3A_66 = tpu.memref_slice %arg2[%add3A_65] : memref<25165824xf32, #tpu.memory_space<hbm>> -> memref<24576xf32, #tpu.memory_space<hbm>>
    %dma_start3A_67 = tpu.memref_slice %arg2[%add3A_65] : memref<25165824xf32, #tpu.memory_space<hbm>> -> memref<24576xf32, #tpu.memory_space<hbm>>
    tpu.enqueue_dma source(%dma_start3A_67 : memref<24576xf32, #tpu.memory_space<hbm>>) target(%arg8 : memref<24576xf32, #tpu.memory_space<vmem>>) target_semaphore(%arg12 : memref<!tpu.dma_semaphore, #tpu.memory_space<semaphore_mem>>)
    %dma_wait3A_68 = tpu.memref_slice %arg3[%add3A_38] : memref<6291456xf32, #tpu.memory_space<hbm>> -> memref<24576xf32, #tpu.memory_space<hbm>>
    %dma_wait3A_69 = tpu.memref_slice %arg3[%add3A_38] : memref<6291456xf32, #tpu.memory_space<hbm>> -> memref<24576xf32, #tpu.memory_space<hbm>>
    tpu.wait_dma2 semaphore(%arg9 : memref<!tpu.dma_semaphore, #tpu.memory_space<semaphore_mem>>) src(%dma_wait3A_69 : memref<24576xf32, #tpu.memory_space<hbm>>) dst(%arg5 : memref<24576xf32, #tpu.memory_space<vmem>>)
    %dma_wait3A_70 = tpu.memref_slice %arg2[%add3A_42] : memref<25165824xf32, #tpu.memory_space<hbm>> -> memref<24576xf32, #tpu.memory_space<hbm>>
    %dma_wait3A_71 = tpu.memref_slice %arg2[%add3A_42] : memref<25165824xf32, #tpu.memory_space<hbm>> -> memref<24576xf32, #tpu.memory_space<hbm>>
    tpu.wait_dma2 semaphore(%arg11 : memref<!tpu.dma_semaphore, #tpu.memory_space<semaphore_mem>>) src(%dma_wait3A_71 : memref<24576xf32, #tpu.memory_space<hbm>>) dst(%arg7 : memref<24576xf32, #tpu.memory_space<vmem>>)
    %parallel_loop3A_72 = arith.constant 0 : i32
    %parallel_loop3A_73 = arith.constant 1536 : i32
    %parallel_loop3A_74 = arith.constant 1 : i32
    scf.for %parallel_loop3A_94 = %parallel_loop3A_72 to %parallel_loop3A_73 step %parallel_loop3A_74  : i32 {
      %parallel_loop3A_95 = arith.constant 16 : i32
      %parallel_loop3A_96 = arith.muli %parallel_loop3A_94, %parallel_loop3A_95 : i32
      %parallel_loop3A_97 = arith.index_cast %parallel_loop3A_96 : i32 to index
      %parallel_loop3A_98 = tpu.vector_load %arg5[%parallel_loop3A_97] {strides = array<i32>} : memref<24576xf32, #tpu.memory_space<vmem>>, vector<16xf32>,
      %parallel_loop3A_99 = vector.shape_cast %parallel_loop3A_98 : vector<16xf32> to vector<16xf32>
      %parallel_loop3A_100 = arith.index_cast %parallel_loop3A_96 : i32 to index
      %parallel_loop3A_101 = tpu.vector_load %arg7[%parallel_loop3A_100] {strides = array<i32>} : memref<24576xf32, #tpu.memory_space<vmem>>, vector<16xf32>,
      %parallel_loop3A_102 = vector.shape_cast %parallel_loop3A_101 : vector<16xf32> to vector<16xf32>
      %parallel_loop3A_103 = vector.shape_cast %parallel_loop3A_99 : vector<16xf32> to vector<16xf32>
      tpu.vector_store %arg7[%parallel_loop3A_100], %parallel_loop3A_103 {add = true, strides = array<i32>} : memref<24576xf32, #tpu.memory_space<vmem>>, vector<16xf32>,
    } {sc.loop_unroll_factor = 8 : i64, sc.parallel_access}
    %add3A_75 = arith.constant 49152 : i32
    %add3A_76 = arith.addi %mul3A_4, %add3A_75 : i32
    %dma_start3A_77 = tpu.memref_slice %arg4[%add3A_76] : memref<3145728xf32, #tpu.memory_space<hbm>> -> memref<24576xf32, #tpu.memory_space<hbm>>
    %dma_start3A_78 = tpu.memref_slice %arg4[%add3A_76] : memref<3145728xf32, #tpu.memory_space<hbm>> -> memref<24576xf32, #tpu.memory_space<hbm>>
    tpu.enqueue_dma source(%arg7 : memref<24576xf32, #tpu.memory_space<vmem>>) target(%dma_start3A_78 : memref<24576xf32, #tpu.memory_space<hbm>>) target_semaphore(%arg13 : memref<!tpu.dma_semaphore, #tpu.memory_space<semaphore_mem>>)
    %dma_wait3A_79 = tpu.memref_slice %arg3[%add3A_61] : memref<6291456xf32, #tpu.memory_space<hbm>> -> memref<24576xf32, #tpu.memory_space<hbm>>
    %dma_wait3A_80 = tpu.memref_slice %arg3[%add3A_61] : memref<6291456xf32, #tpu.memory_space<hbm>> -> memref<24576xf32, #tpu.memory_space<hbm>>
    tpu.wait_dma2 semaphore(%arg10 : memref<!tpu.dma_semaphore, #tpu.memory_space<semaphore_mem>>) src(%dma_wait3A_80 : memref<24576xf32, #tpu.memory_space<hbm>>) dst(%arg6 : memref<24576xf32, #tpu.memory_space<vmem>>)
    %dma_wait3A_81 = tpu.memref_slice %arg2[%add3A_65] : memref<25165824xf32, #tpu.memory_space<hbm>> -> memref<24576xf32, #tpu.memory_space<hbm>>
    %dma_wait3A_82 = tpu.memref_slice %arg2[%add3A_65] : memref<25165824xf32, #tpu.memory_space<hbm>> -> memref<24576xf32, #tpu.memory_space<hbm>>
    tpu.wait_dma2 semaphore(%arg12 : memref<!tpu.dma_semaphore, #tpu.memory_space<semaphore_mem>>) src(%dma_wait3A_82 : memref<24576xf32, #tpu.memory_space<hbm>>) dst(%arg8 : memref<24576xf32, #tpu.memory_space<vmem>>)
    %parallel_loop3A_83 = arith.constant 0 : i32
    %parallel_loop3A_84 = arith.constant 1536 : i32
    %parallel_loop3A_85 = arith.constant 1 : i32
    scf.for %parallel_loop3A_94 = %parallel_loop3A_83 to %parallel_loop3A_84 step %parallel_loop3A_85  : i32 {
      %parallel_loop3A_95 = arith.constant 16 : i32
      %parallel_loop3A_96 = arith.muli %parallel_loop3A_94, %parallel_loop3A_95 : i32
      %parallel_loop3A_97 = arith.index_cast %parallel_loop3A_96 : i32 to index
      %parallel_loop3A_98 = tpu.vector_load %arg6[%parallel_loop3A_97] {strides = array<i32>} : memref<24576xf32, #tpu.memory_space<vmem>>, vector<16xf32>,
      %parallel_loop3A_99 = vector.shape_cast %parallel_loop3A_98 : vector<16xf32> to vector<16xf32>
      %parallel_loop3A_100 = arith.index_cast %parallel_loop3A_96 : i32 to index
      %parallel_loop3A_101 = tpu.vector_load %arg8[%parallel_loop3A_100] {strides = array<i32>} : memref<24576xf32, #tpu.memory_space<vmem>>, vector<16xf32>,
      %parallel_loop3A_102 = vector.shape_cast %parallel_loop3A_101 : vector<16xf32> to vector<16xf32>
      %parallel_loop3A_103 = vector.shape_cast %parallel_loop3A_99 : vector<16xf32> to vector<16xf32>
      tpu.vector_store %arg8[%parallel_loop3A_100], %parallel_loop3A_103 {add = true, strides = array<i32>} : memref<24576xf32, #tpu.memory_space<vmem>>, vector<16xf32>,
    } {sc.loop_unroll_factor = 8 : i64, sc.parallel_access}
    %add3A_86 = arith.constant 73728 : i32
    %add3A_87 = arith.addi %mul3A_4, %add3A_86 : i32
    %dma_start3A_88 = tpu.memref_slice %arg4[%add3A_87] : memref<3145728xf32, #tpu.memory_space<hbm>> -> memref<24576xf32, #tpu.memory_space<hbm>>
    %dma_start3A_89 = tpu.memref_slice %arg4[%add3A_87] : memref<3145728xf32, #tpu.memory_space<hbm>> -> memref<24576xf32, #tpu.memory_space<hbm>>
    tpu.enqueue_dma source(%arg8 : memref<24576xf32, #tpu.memory_space<vmem>>) target(%dma_start3A_89 : memref<24576xf32, #tpu.memory_space<hbm>>) target_semaphore(%arg14 : memref<!tpu.dma_semaphore, #tpu.memory_space<semaphore_mem>>)
    %dma_wait3A_90 = tpu.memref_slice %arg4[%add3A_76] : memref<3145728xf32, #tpu.memory_space<hbm>> -> memref<24576xf32, #tpu.memory_space<hbm>>
    %dma_wait3A_91 = tpu.memref_slice %arg4[%add3A_76] : memref<3145728xf32, #tpu.memory_space<hbm>> -> memref<24576xf32, #tpu.memory_space<hbm>>
    tpu.wait_dma2 semaphore(%arg13 : memref<!tpu.dma_semaphore, #tpu.memory_space<semaphore_mem>>) src(%arg7 : memref<24576xf32, #tpu.memory_space<vmem>>) dst(%dma_wait3A_91 : memref<24576xf32, #tpu.memory_space<hbm>>)
    %dma_wait3A_92 = tpu.memref_slice %arg4[%add3A_87] : memref<3145728xf32, #tpu.memory_space<hbm>> -> memref<24576xf32, #tpu.memory_space<hbm>>
    %dma_wait3A_93 = tpu.memref_slice %arg4[%add3A_87] : memref<3145728xf32, #tpu.memory_space<hbm>> -> memref<24576xf32, #tpu.memory_space<hbm>>
    tpu.wait_dma2 semaphore(%arg14 : memref<!tpu.dma_semaphore, #tpu.memory_space<semaphore_mem>>) src(%arg8 : memref<24576xf32, #tpu.memory_space<vmem>>) dst(%dma_wait3A_93 : memref<24576xf32, #tpu.memory_space<hbm>>)
    return
  }
}

module attributes {stable_mosaic.version = 14 : i64} {
  func.func @_tc_body(%arg0: i32, %arg1: memref<512x768xf32, #tpu.memory_space<vmem>>, %arg2: memref<512x768xf32, #tpu.memory_space<vmem>>, %arg3: memref<512x768xf32, #tpu.memory_space<vmem>>) attributes {dimension_semantics = [#tpu.dimension_semantics<arbitrary>], iteration_bounds = array<i64: 56>, scalar_prefetch = 0 : i64, scratch_operands = 0 : i64, tpu.core_type = #tpu.core_type<tc>, window_params = [{transform_indices = @transform_0, window_bounds = array<i64: 512, 768>}, {transform_indices = @transform_1, window_bounds = array<i64: 512, 768>}, {transform_indices = @transform_2, window_bounds = array<i64: 512, 768>}]} {
    %get3A = arith.constant 0 : index
    %get3A_0 = arith.constant 0 : index
    %get3A_1 = vector.load %arg1[%get3A, %get3A_0] : memref<512x768xf32, #tpu.memory_space<vmem>>, vector<512x768xf32>
    %get3A_2 = arith.constant 0 : index
    %get3A_3 = arith.constant 0 : index
    %get3A_4 = vector.load %arg2[%get3A_2, %get3A_3] : memref<512x768xf32, #tpu.memory_space<vmem>>, vector<512x768xf32>
    %add3A = arith.addf %get3A_1, %get3A_4 : vector<512x768xf32>
    %swap3A = arith.constant 0 : index
    %swap3A_5 = arith.constant 0 : index
    %swap3A_6 = vector.load %arg3[%swap3A, %swap3A_5] : memref<512x768xf32, #tpu.memory_space<vmem>>, vector<512x768xf32>
    tpu.vector_store %arg3[%swap3A, %swap3A_5], %add3A {strides = array<i32>} : memref<512x768xf32, #tpu.memory_space<vmem>>, vector<512x768xf32>,
    return
  }
  func.func @transform_0(%arg0: i32) -> (i32, i32) {
    %c0_i32 = arith.constant 0 : i32
    %c0_i32_0 = arith.constant 0 : i32
    return %arg0, %c0_i32 : i32, i32
  }
  func.func @transform_1(%arg0: i32) -> (i32, i32) {
    %jit3A = arith.constant 16 : i32
    %eq3A = arith.constant 0 : i32
    %eq3A_0 = arith.cmpi eq, %jit3A, %eq3A : i32
    %jit3A_1 = arith.constant 1 : i32
    %select_n3A = arith.select %eq3A_0, %jit3A_1, %jit3A : i32
    %rem3A = arith.remsi %arg0, %select_n3A : i32
    %ne3A = arith.constant 0 : i32
    %ne3A_2 = arith.cmpi ne, %rem3A, %ne3A : i32
    %lt3A = arith.constant 0 : i32
    %lt3A_3 = arith.cmpi slt, %rem3A, %lt3A : i32
    %lt3A_4 = arith.constant 0 : i32
    %lt3A_5 = arith.cmpi slt, %select_n3A, %lt3A_4 : i32
    %ne3A_6 = arith.xori %lt3A_3, %lt3A_5 : i1
    %and3A = arith.andi %ne3A_6, %ne3A_2 : i1
    %add3A = arith.addi %rem3A, %select_n3A : i32
    %select_n3A_7 = arith.select %and3A, %add3A, %rem3A : i32
    %c0_i32 = arith.constant 0 : i32
    %c0_i32_8 = arith.constant 0 : i32
    return %select_n3A_7, %c0_i32 : i32, i32
  }
  func.func @transform_2(%arg0: i32) -> (i32, i32) {
    %c0_i32 = arith.constant 0 : i32
    %c0_i32_0 = arith.constant 0 : i32
    return %arg0, %c0_i32 : i32, i32
  }
}

</mosaic_0001>

<sc_bundles>
// kernel: kernel.4.cloned.1.call-start
scs
__scs_entry_jumppad:
0x0: {  	(pc) =	sbr.rel $0x88, $3  }
0x1: {  	(tag) =	ssettag $0x0;
	lr =	simm.s32 $0x1  }
0x2: {  	[smem:$0x3F9F] =	sst lr;
	_ =	strace $0xD0000000  }
0x3: {  	_ = 	snop  }
0x4: {  	_ = 	snop  }
0x5: {  	_ = 	snop  }
0x6: {  	_ = 	snop  }
0x7: {  	_ = 	snop  }
__scs_overlays_trampoline_lowered:
0x8: {  	[smem:$0x3FAE] =	sst s0  }
0x9: {  	[smem:$0x3FAF] =	sst s1  }
0xa: {  	[smem:$0x3FB0] =	sst s2  }
0xb: {  	[smem:$0x3FB1] =	sst s3  }
0xc: {  	[smem:$0x3FB2] =	sst s4  }
0xd: {  	[smem:$0x3FB3] =	sst s5  }
0xe: {  	[smem:$0x3FB4] =	sst s6  }
0xf: {  	[smem:$0x3FB5] =	sst s7  }
0x10: {  	[smem:$0x3FB6] =	sst s8  }
0x11: {  	[smem:$0x3FB7] =	sst s9;
	s0 =	simm.s32 @!p0 $0x0  }
0x12: {  	s1 =	sld [smem:$0x3F9D];
	s0 =	simm.s32 @p0 $0x1  }
0x13: {  	[smem:$0x3FB8] =	sst s0;
	s0 =	simm.s32 @!p1 $0x0  }
0x14: {  	s2 =	sld [smem:$0x3F9C];
	s0 =	simm.s32 @p1 $0x1  }
0x15: {  	[smem:$0x3FB9] =	sst s0;
	s0 =	simm.s32 @!p2 $0x0  }
0x16: {  	s3 =	sld [smem:$0x3FDB];
	s0 =	simm.s32 @p2 $0x1  }
0x17: {  	s4 =	simm.s32 $0x1BF5;
	[smem:$0x3FBB] =	sst s0  }
0x18: {  	s0 =	sld [smem:$0x3F9E];
	_ =	swait.ge [sflag:s4], $0x0  }
0x19: {  	s7 =	sld [smem:$0x3F9F]  }
0x1a: {  	s8 =	sadd.s32 $0xFFFFE003, lr  }
0x1b: {  	s9 =	sadd.s32 $0xFFFFFEF7, lr;
	s5 =	simm.s32 $0xFFFFFFFF;
	p2 =	slt.u32 s8, $0xFFFFF086  }
0x1c: {  	p1 =	slt.u32 s9, $0xF7A;
	s5 =	simm.s32 @!p2 $0x0  }
0x1d: {  	s5 =	simm.s32 @p1 $0x1;
	p0 =	seq.s32 s7, s2  }
0x1e: {  	s7 =	smul.u32 @!p0 $0xF7A, s2;
	p2 =	seq.s32 @!p0 s5, $0x0  }
0x1f: {  	s9 =	smul.u32 $0xF7A, s1;
	s8 =	simm.s32 @!p0 $0x1BF5;
	p2 =	por !p2, p0  }
0x20: {  	[sflag:s8] =	ssyncset.s32 @!p0 $0xFFFFF086;
	s6 =	sadd.s32 @!p0 s3, s7;
	s7 =	simm.s32 @!p0 $0x108  }
0x21: {  	s3 =	sadd.s32 s3, s9;
	s6 =	sadd.s32 @!p0 $0x88, s6;
	s7 =	simm.s32 @p2 $0x1082  }
0x22: {  	[simem:s7], [sflag:s8] =	dma.local @!p0 [hbm:s6], $0xF7A  }
0x23: {  	s9 =	sor.u32 $0xD0000000, s2;
	s6 =	simm.s32 $0x108;
	_ =	swait.ge @!p0 [sflag:s8], $0x0  }
0x24: {  	s3 =	sadd.s32 $0x88, s3;
	s6 =	simm.s32 @!p1 $0x1082;
	[sflag:s4] =	ssyncset.s32 $0xFFFFF086  }
0x25: {  	[simem:s6], [sflag:s4] =	dma.local [hbm:s3], $0xF7A  }
0x26: {  	[smem:$0x3F9F] =	sst s1;
	(tag) =	ssettag s2;
	_ =	strace s9  }
0x27: {  	s1 =	sld [smem:$0x3FAF]  }
0x28: {  	s2 =	sld [smem:$0x3FB0]  }
0x29: {  	s4 =	sld [smem:$0x3FB2]  }
0x2a: {  	p0 =	seq.s32 s5, $0x0;
	s5 =	sld [smem:$0x3FB3]  }
0x2b: {  	s6 =	sld [smem:$0x3FB4]  }
0x2c: {  	s7 =	sld [smem:$0x3FB5]  }
0x2d: {  	s3 =	simm.s32 $0x108;
	s8 =	sld [smem:$0x3FB6]  }
0x2e: {  	s3 =	simm.s32 @!p0 $0x1082;
	s9 =	sld [smem:$0x3FB7]  }
0x2f: {  	lr =	sadd.s32 s0, s3;
	s0 =	sld [smem:$0x3FAE]  }
0x30: {  	s3 =	sld [smem:$0x3FB1]  }
0x31: {  	[smem:$0x3FBA] =	sst s10  }
0x32: {  	s10 =	sld [smem:$0x3FB8];
	_ =	sdelay $0x3  }
0x33: {  	p0 =	seq.s32 s10, $0x1;
	s10 =	sld [smem:$0x3FBA];
	_ =	sdelay $0x3  }
0x34: {  	[smem:$0x3FBA] =	sst s10  }
0x35: {  	s10 =	sld [smem:$0x3FB9];
	_ =	sdelay $0x3  }
0x36: {  	p1 =	seq.s32 s10, $0x1;
	s10 =	sld [smem:$0x3FBA];
	_ =	sdelay $0x3  }
0x37: {  	[smem:$0x3FBA] =	sst s10  }
0x38: {  	s10 =	sld [smem:$0x3FBB]  }
0x39: {  	_ = 	snop;
	(pc) =	sbr.ind lr, $3  }
0x3a: {  	_ = 	snop  }
0x3b: {  	_ = 	snop  }
0x3c: {  	p2 =	seq.s32 s10, $0x1;
	s10 =	sld [smem:$0x3FBA]  }
0x3d: {  	_ =	shalt  }
0x3e: {  	_ =	shalt  }
0x3f: {  	_ =	shalt  }
0x40: {  	_ =	shalt  }
0x41: {  	_ =	shalt  }
0x42: {  	_ =	shalt  }
0x43: {  	_ =	shalt  }
0x44: {  	_ =	shalt  }
0x45: {  	_ =	shalt  }
0x46: {  	_ =	shalt  }
0x47: {  	_ =	shalt  }
0x48: {  	_ =	shalt  }
0x49: {  	_ =	shalt  }
0x4a: {  	_ =	shalt  }
0x4b: {  	_ =	shalt  }
0x4c: {  	_ =	shalt  }
0x4d: {  	_ =	shalt  }
0x4e: {  	_ =	shalt  }
0x4f: {  	_ =	shalt  }
0x50: {  	_ =	shalt  }
0x51: {  	_ =	shalt  }
0x52: {  	_ =	shalt  }
0x53: {  	_ =	shalt  }
0x54: {  	_ =	shalt  }
0x55: {  	_ =	shalt  }
0x56: {  	_ =	shalt  }
0x57: {  	_ =	shalt  }
0x58: {  	_ =	shalt  }
0x59: {  	_ =	shalt  }
0x5a: {  	_ =	shalt  }
0x5b: {  	_ =	shalt  }
0x5c: {  	_ =	shalt  }
0x5d: {  	_ =	shalt  }
0x5e: {  	_ =	shalt  }
0x5f: {  	_ =	shalt  }
0x60: {  	_ =	shalt  }
0x61: {  	_ =	shalt  }
0x62: {  	_ =	shalt  }
0x63: {  	_ =	shalt  }
0x64: {  	_ =	shalt  }
0x65: {  	_ =	shalt  }
0x66: {  	_ =	shalt  }
0x67: {  	_ =	shalt  }
0x68: {  	_ =	shalt  }
0x69: {  	_ =	shalt  }
0x6a: {  	_ =	shalt  }
0x6b: {  	_ =	shalt  }
0x6c: {  	_ =	shalt  }
0x6d: {  	_ =	shalt  }
0x6e: {  	_ =	shalt  }
0x6f: {  	_ =	shalt  }
0x70: {  	_ =	shalt  }
0x71: {  	_ =	shalt  }
0x72: {  	_ =	shalt  }
0x73: {  	_ =	shalt  }
0x74: {  	_ =	shalt  }
0x75: {  	_ =	shalt  }
0x76: {  	_ =	shalt  }
0x77: {  	_ =	shalt  }
0x78: {  	_ =	shalt  }
0x79: {  	_ =	shalt  }
0x7a: {  	_ =	shalt  }
0x7b: {  	_ =	shalt  }
0x7c: {  	_ =	shalt  }
0x7d: {  	_ =	shalt  }
0x7e: {  	_ =	shalt  }
0x7f: {  	_ =	shalt  }
0x80: {  	_ =	shalt  }
0x81: {  	_ =	shalt  }
0x82: {  	_ =	shalt  }
0x83: {  	_ =	shalt  }
0x84: {  	_ =	shalt  }
0x85: {  	_ =	shalt  }
0x86: {  	_ =	shalt  }
0x87: {  	_ =	shalt  }
.Lfunc_end0:
.L_simem_size_0:
called_computation_lowered:
.L_overlay_start_0:
0x88: {  	s2 =	sld [smem:$0x3FD9]  }
0x89: {  	s3 =	sld [smem:$0x3FFE];
	_ =	sdelay $0x1  }
0x8a: {  	s1 =	srdreg.scid  }
0x8b: {  	s0 =	sand.u32 $0x1, s1  }
0x8c: {  	s17 =	sshll.u32 s0, $0xA;
	s2 =	sadd.s32 s3, s2  }
0x8d: {  	s2 =	sadd.s32 s2, s17  }
0x8e: {  	[smem:$0x3FC6] =	sst s2  }
0x8f: {  	_ = 	snop  }
0x90: {  	s2 =	sld [smem:$0x3FD0];
	(tm) =	ssettm $0x1  }
0x91: {  	s18 =	sld [smem:$0x3FFB];
	_ =	sdelay $0x3  }
0x92: {  	_ =	strace s18  }
0x93: {  	s3 =	sld [smem:$0x3FFC];
	_ =	sdelay $0x3  }
0x94: {  	_ =	strace s3  }
0x95: {  	s3 =	sld [smem:$0x3FFD];
	_ =	sdelay $0x3  }
0x96: {  	_ =	strace s3  }
0x97: {  	_ =	strace $0x8FFFFFFF  }
0x98: {  	s19 =	sld [smem:$0x3FDB];
	_ =	sdelay $0x1  }
0x99: {  	s4 =	simm.s32 $_scs_section_size  }
0x9a: {  	s5 =	simm.s32 $_size__tile_overlayer_lowered;
	s6 =	simm.s32 $_tile_overlayer_lowered  }
0x9b: {  	s22 =	simm.s32 $0x1BFF;
	s21 =	sshll.u32 s6, $0x1;
	s3 =	sadd.s32 s4, s19  }
0x9c: {  	s7 =	simm.s32 $0x0;
	s20 =	sshll.u32 s5, $0x1;
	s5 =	sadd.s32 s21, s3  }
0x9d: {  	[timem:s7], [sflag:s22] =	dma.local [hbm:s5], s20  }
0x9e: {  	_ =	swait.ge [sflag:s22], s20  }
0x9f: {  	s4 =	ssub.s32 $0x0, s20;
	[sflag:s22] =	ssyncset.done $0x0  }
0xa0: {  	[sflag:s22] =	ssyncadd.s32 s4;
	_ =	sdelay $0x1  }
0xa1: {  	s23 =	simm.s32 $0x1B8B  }
0xa2: {  	_ =	swait.ge [sflag:s23], $0x1  }
0xa3: {  	[sflag:s23] =	ssyncset.done $0x0  }
0xa4: {  	s25 =	simm.s32 $0x1B8E;
	s24 =	sld [smem:$0x3FFE];
	[sflag:s23] =	ssyncadd.s32 $0xFFFFFFFF  }
0xa5: {  	s26 =	simm.s32 $execute0_lowered;
	[smem:$0x3FD2] =	sst s25  }
0xa6: {  	s5 =	sshll.u32 s26, $0x1;
	_ =	strace $0x80000046;
	[dreg:$0x1] =	wrdreg $0xFFFFFFFF  }
0xa7: {  	s28 =	simm.s32 $_size_execute0_lowered;
	s3 =	sadd.s32 s3, s5;
	[dreg:$0x0] =	wrdreg $0x0  }
0xa8: {  	s5 =	sshll.u32 s28, $0x1;
	[dreg:$0x2] =	wrdreg s3  }
0xa9: {  	[dreg:$0x3] =	wrdreg s5  }
0xaa: {  	[dreg:$0x4] =	wrdreg $0xC0  }
0xab: {  	_ =	task [dreg:s7], $0x5FFFF  }
0xac: {  	[dreg:$0x1] =	wrdreg $0xFFFFFFFF  }
0xad: {  	[dreg:$0x0] =	wrdreg $0x60  }
0xae: {  	[dreg:$0x2] =	wrdreg s2  }
0xaf: {  	[dreg:$0x3] =	wrdreg s24  }
0xb0: {  	[dreg:$0x4] =	wrdreg $0x9  }
0xb1: {  	_ =	task.clear_ibuf [dreg:s7], $0x5FFFF;
	_ =	strace $0x90000046  }
0xb2: {  	s29 =	simm.s32 $0x9;
	_ =	strace $0x80000048  }
0xb3: {  	_ =	swait.ge [sflag:s29], $0x1  }
0xb4: {  	[sflag:s29] =	ssyncadd.s32 $0xFFFFFFFF  }
0xb5: {  	_ =	strace $0x90000048  }
0xb6: {  	_ =	sfence  }
0xb7: {  	s30 =	sld [smem:$0x0];
	_ =	sdelay $0x2  }
0xb8: {  	s31 =	sshll.u32 s1, $0xD;
	s1 =	sshrl.u32 s1, $0x2  }
0xb9: {  	s3 =	sand.u32 $0x4000, s31;
	s1 =	sadd.s32 s1, s30  }
0xba: {  	s0 =	sor.u32 s3, s0;
	s1 =	sshll.u32 s1, $0x11  }
0xbb: {  	s0 =	sor.u32 s1, s0  }
0xbc: {  	s0 =	sadd.s32 $0x8F2B, s0  }
0xbd: {  	[sflag:s0] =	ssyncadd.remote.s32 $0x1  }
0xbe: {  	_ =	sfence.sel $0xFFFF  }
0xbf: {  	[dreg:$0x0] =	wrdreg $0xFFFFFFFF;
	(pc) =	sbr.abs _section_cstart, $3  }
0xc0: {  	[dreg:$0x1] =	wrdreg $0xFFFFFFFF  }
0xc1: {  	_ =	task.clear_ibuf [dreg:s7], $0x2FFFF;
	_ =	strace $0x9FFFFFFF  }
0xc2: {  	(tm) =	ssettm $0x7FFFFFFF  }
0xc3: {  	_ =	shalt  }
tec
execute0_lowered:
.L_overlay_start_1:
0x0: {  	(tag) =	ssettag $0x1  }
0x1: {  	s1 =	srdreg.scid;
	s3 =	rddreg [dreg:$0x0]  }
0x2: {  	s0 =	stileid.u32;
	s5 =	rddreg [dreg:$0x1];
	s2 =	simm.s32 $0x0  }
0x3: {  	s16 =	simm.s32 $0xC000;
	s17 =	simm.s32 $0x6000;
	s18 =	simm.s32 $0x12000  }
0x4: {  	s19 =	simm.s32 $0x1;
	s20 =	simm.s32 $0x3;
	s21 =	simm.s32 $0x5  }
0x5: {  	s22 =	simm.s32 $0x2;
	s4 =	sand.u32 $0x1, s1;
	s30 =	sshll.u32 s0, $0x1  }
0x6: {  	s23 =	simm.s32 $0x4;
	s24 =	simm.s32 $0x6;
	s6 =	sor.u32 s4, s30  }
0x7: {  	s1 =	rddreg [dreg:$0x2];
	s4 =	ssub.s32 $0x2, s4;
	s6 =	smul.u32 $0x18000, s6  }
0x8: {  	s25 =	simm.s32 $0x0;
	[smem:$0x7FF] =	sst s2;
	s31 =	sshrl.u32 s4, $0x1  }
0x9: {  	_ =	strace $0x80000047;
	s15 =	ssub.s32 s4, s31;
	s6 =	sshrl.u32 s6, $0x3  }
0xa: {  	s15 =	smax.u32 s15, $0x1;
	s14 =	sadd.s32 s6, s5;
	s12 =	sadd.s32 s3, s6  }
0xb: {  	s3 =	sadd.s32 $0x60600, s14;
	s4 =	sadd.s32 $0x2A0000, s12;
	s5 =	sadd.s32 $0x61200, s14  }
0xc: {  	s6 =	sadd.s32 $0x2A0C00, s12;
	s7 =	sadd.s32 $0xC0600, s14;
	s8 =	sadd.s32 $0x61E00, s14  }
0xd: {  	s9 =	sadd.s32 $0x2A1800, s12;
	s10 =	sadd.s32 $0xC1200, s14;
	s11 =	sadd.s32 $0x62A00, s14  }
0xe: {  	s12 =	sadd.s32 $0x2A2400, s12;
	s13 =	sadd.s32 $0xC1E00, s14;
	s14 =	sadd.s32 $0xC2A00, s14  }
.LBB2_1:
0xf: {  	[tilespmem:s2], [sflag:$0x1] =	stream.linear.gather [hbm4b:s3+s2], $0x6000, $0x38;
	[tilespmem:$0x18000] =	vst v63  }
0x10: {  	_ = 	snop  }
0x11: {  	[tilespmem:s16], [sflag:$0x3] =	stream.linear.gather [hbm4b:s4+s2], $0x6000, $0x38;
	[tilespmem:$0x18000] =	vst v63  }
0x12: {  	_ = 	snop  }
0x13: {  	[tilespmem:s17], [sflag:$0x2] =	stream.linear.gather [hbm4b:s5+s2], $0x6000, $0x38;
	[tilespmem:$0x18000] =	vst v63  }
0x14: {  	_ = 	snop  }
0x15: {  	[tilespmem:s18], [sflag:$0x4] =	stream.linear.gather [hbm4b:s6+s2], $0x6000, $0x38;
	[tilespmem:$0x18000] =	vst v63  }
0x16: {  	_ =	swait.ge [sflag:s19], $0x6000  }
0x17: {  	[sflag:s19] =	ssyncset.done $0x0  }
0x18: {  	[sflag:s19] =	ssyncadd.s32 $0xFFFFA000  }
0x19: {  	_ =	swait.ge [sflag:s20], $0x6000  }
0x1a: {  	[sflag:s20] =	ssyncset.done $0x0  }
0x1b: {  	s26 =	simm.s32 $0x0;
	[sflag:s20] =	ssyncadd.s32 $0xFFFFA000  }
0x1c: {  	v0 =	vld [tilespmem:s26+$0x70]  }
0x1d: {  	v1 =	vld [tilespmem:s26+$0x0]  }
0x1e: {  	v2 =	vld [tilespmem:s26+$0x10]  }
0x1f: {  	v3 =	vld [tilespmem:s26+$0x20]  }
0x20: {  	v4 =	vld [tilespmem:s26+$0x30]  }
0x21: {  	v5 =	vld [tilespmem:s26+$0x40]  }
0x22: {  	v6 =	vld [tilespmem:s26+$0x50]  }
0x23: {  	[tilespmem:s26+$0xC070] =	vst.add.f32.msk $0xffff, v0  }
0x24: {  	v0 =	vld [tilespmem:s26+$0x60]  }
0x25: {  	[tilespmem:s26+$0xC000] =	vst.add.f32.msk $0xffff, v1  }
0x26: {  	[tilespmem:s26+$0xC010] =	vst.add.f32.msk $0xffff, v2  }
0x27: {  	[tilespmem:s26+$0xC020] =	vst.add.f32.msk $0xffff, v3  }
0x28: {  	[tilespmem:s26+$0xC030] =	vst.add.f32.msk $0xffff, v4  }
0x29: {  	[tilespmem:s26+$0xC040] =	vst.add.f32.msk $0xffff, v5  }
0x2a: {  	s28 =	simm.s32 $0x0;
	s29 =	simm.s32 $0x200;
	[tilespmem:s26+$0xC050] =	vst.add.f32.msk $0xffff, v6  }
.LBB2_2:
0x2b: {  	s28 =	sadd.s32 $0x8, s28;
	[tilespmem:s26+$0xC060] =	vst.add.f32.msk $0xffff, v0;
	s26 =	sshra.s32 s29, $0x2  }
0x2c: {  	v0 =	vld [tilespmem:s26+$0x70];
	p0 =	slt.u32 s28, $0x5F8  }
0x2d: {  	v1 =	vld [tilespmem:s26+$0x0]  }
0x2e: {  	v2 =	vld [tilespmem:s26+$0x10]  }
0x2f: {  	v3 =	vld [tilespmem:s26+$0x20]  }
0x30: {  	v4 =	vld [tilespmem:s26+$0x30]  }
0x31: {  	[tilespmem:s26+$0xC070] =	vst.add.f32.msk $0xffff, v0  }
0x32: {  	v5 =	vld [tilespmem:s26+$0x40]  }
0x33: {  	v6 =	vld [tilespmem:s26+$0x50]  }
0x34: {  	v0 =	vld [tilespmem:s26+$0x60]  }
0x35: {  	[tilespmem:s26+$0xC000] =	vst.add.f32.msk $0xffff, v1  }
.Ltmp0:
0x36: {  	[tilespmem:s26+$0xC010] =	vst.add.f32.msk $0xffff, v2;
	(pc) =	sbr.rel @p0 .LBB2_2-.Ltmp0, $4  }
0x37: {  	[tilespmem:s26+$0xC020] =	vst.add.f32.msk $0xffff, v3  }
0x38: {  	[tilespmem:s26+$0xC030] =	vst.add.f32.msk $0xffff, v4  }
0x39: {  	[tilespmem:s26+$0xC040] =	vst.add.f32.msk $0xffff, v5  }
0x3a: {  	s29 =	sadd.s32 $0x200, s29;
	[tilespmem:s26+$0xC050] =	vst.add.f32.msk $0xffff, v6  }
0x3b: {  	[tilespmem:s26+$0xC060] =	vst.add.f32.msk $0xffff, v0;
	s31 =	simm.s32 $0x0  }
0x3c: {  	[hbm4b:s7+s31] =	stream.linear.scatter [tilespmem:s16], [sflag:$0x5], $0x6000, $0x38;
	[tilespmem:$0x18000] =	vst v63  }
0x3d: {  	_ =	swait.ge [sflag:s21], $0x6000  }
0x3e: {  	[sflag:s21] =	ssyncset.done $0x0  }
0x3f: {  	[sflag:s21] =	ssyncadd.s32 $0xFFFFA000  }
0x40: {  	[tilespmem:s31], [sflag:$0x1] =	stream.linear.gather [hbm4b:s8+s31], $0x6000, $0x38;
	[tilespmem:$0x18000] =	vst v63  }
0x41: {  	_ = 	snop  }
0x42: {  	[tilespmem:s16], [sflag:$0x3] =	stream.linear.gather [hbm4b:s9+s31], $0x6000, $0x38;
	[tilespmem:$0x18000] =	vst v63  }
0x43: {  	_ =	swait.ge [sflag:s22], $0x6000  }
0x44: {  	[sflag:s22] =	ssyncset.done $0x0  }
0x45: {  	[sflag:s22] =	ssyncadd.s32 $0xFFFFA000  }
0x46: {  	_ =	swait.ge [sflag:s23], $0x6000  }
0x47: {  	[sflag:s23] =	ssyncset.done $0x0  }
0x48: {  	s26 =	simm.s32 $0x0;
	[sflag:s23] =	ssyncadd.s32 $0xFFFFA000  }
0x49: {  	v0 =	vld [tilespmem:s26+$0x6070]  }
0x4a: {  	v1 =	vld [tilespmem:s26+$0x6000]  }
0x4b: {  	v2 =	vld [tilespmem:s26+$0x6010]  }
0x4c: {  	v3 =	vld [tilespmem:s26+$0x6020]  }
0x4d: {  	v4 =	vld [tilespmem:s26+$0x6030]  }
0x4e: {  	v5 =	vld [tilespmem:s26+$0x6040]  }
0x4f: {  	v6 =	vld [tilespmem:s26+$0x6050]  }
0x50: {  	[tilespmem:s26+$0x12070] =	vst.add.f32.msk $0xffff, v0  }
0x51: {  	v0 =	vld [tilespmem:s26+$0x6060]  }
0x52: {  	[tilespmem:s26+$0x12000] =	vst.add.f32.msk $0xffff, v1  }
0x53: {  	[tilespmem:s26+$0x12010] =	vst.add.f32.msk $0xffff, v2  }
0x54: {  	[tilespmem:s26+$0x12020] =	vst.add.f32.msk $0xffff, v3  }
0x55: {  	[tilespmem:s26+$0x12030] =	vst.add.f32.msk $0xffff, v4  }
0x56: {  	[tilespmem:s26+$0x12040] =	vst.add.f32.msk $0xffff, v5  }
0x57: {  	s28 =	simm.s32 $0x0;
	s29 =	simm.s32 $0x200;
	[tilespmem:s26+$0x12050] =	vst.add.f32.msk $0xffff, v6  }
.LBB2_4:
0x58: {  	s28 =	sadd.s32 $0x8, s28;
	[tilespmem:s26+$0x12060] =	vst.add.f32.msk $0xffff, v0;
	s26 =	sshra.s32 s29, $0x2  }
0x59: {  	v0 =	vld [tilespmem:s26+$0x6070];
	p0 =	slt.u32 s28, $0x5F8  }
0x5a: {  	v1 =	vld [tilespmem:s26+$0x6000]  }
0x5b: {  	v2 =	vld [tilespmem:s26+$0x6010]  }
0x5c: {  	v3 =	vld [tilespmem:s26+$0x6020]  }
0x5d: {  	v4 =	vld [tilespmem:s26+$0x6030]  }
0x5e: {  	[tilespmem:s26+$0x12070] =	vst.add.f32.msk $0xffff, v0  }
0x5f: {  	v5 =	vld [tilespmem:s26+$0x6040]  }
0x60: {  	v6 =	vld [tilespmem:s26+$0x6050]  }
0x61: {  	v0 =	vld [tilespmem:s26+$0x6060]  }
0x62: {  	[tilespmem:s26+$0x12000] =	vst.add.f32.msk $0xffff, v1  }
.Ltmp1:
0x63: {  	[tilespmem:s26+$0x12010] =	vst.add.f32.msk $0xffff, v2;
	(pc) =	sbr.rel @p0 .LBB2_4-.Ltmp1, $4  }
0x64: {  	[tilespmem:s26+$0x12020] =	vst.add.f32.msk $0xffff, v3  }
0x65: {  	[tilespmem:s26+$0x12030] =	vst.add.f32.msk $0xffff, v4  }
0x66: {  	[tilespmem:s26+$0x12040] =	vst.add.f32.msk $0xffff, v5  }
0x67: {  	s29 =	sadd.s32 $0x200, s29;
	[tilespmem:s26+$0x12050] =	vst.add.f32.msk $0xffff, v6  }
0x68: {  	[tilespmem:s26+$0x12060] =	vst.add.f32.msk $0xffff, v0;
	s31 =	simm.s32 $0x0  }
0x69: {  	[hbm4b:s10+s31] =	stream.linear.scatter [tilespmem:s18], [sflag:$0x6], $0x6000, $0x38;
	[tilespmem:$0x18000] =	vst v63  }
0x6a: {  	_ =	swait.ge [sflag:s24], $0x6000  }
0x6b: {  	[sflag:s24] =	ssyncset.done $0x0  }
0x6c: {  	[sflag:s24] =	ssyncadd.s32 $0xFFFFA000  }
0x6d: {  	[tilespmem:s17], [sflag:$0x2] =	stream.linear.gather [hbm4b:s11+s31], $0x6000, $0x38;
	[tilespmem:$0x18000] =	vst v63  }
0x6e: {  	_ = 	snop  }
0x6f: {  	[tilespmem:s18], [sflag:$0x4] =	stream.linear.gather [hbm4b:s12+s31], $0x6000, $0x38;
	[tilespmem:$0x18000] =	vst v63  }
0x70: {  	_ =	swait.ge [sflag:s19], $0x6000  }
0x71: {  	[sflag:s19] =	ssyncset.done $0x0  }
0x72: {  	[sflag:s19] =	ssyncadd.s32 $0xFFFFA000  }
0x73: {  	_ =	swait.ge [sflag:s20], $0x6000  }
0x74: {  	[sflag:s20] =	ssyncset.done $0x0  }
0x75: {  	s26 =	simm.s32 $0x0;
	[sflag:s20] =	ssyncadd.s32 $0xFFFFA000  }
0x76: {  	v0 =	vld [tilespmem:s26+$0x70]  }
0x77: {  	v1 =	vld [tilespmem:s26+$0x0]  }
0x78: {  	v2 =	vld [tilespmem:s26+$0x10]  }
0x79: {  	v3 =	vld [tilespmem:s26+$0x20]  }
0x7a: {  	v4 =	vld [tilespmem:s26+$0x30]  }
0x7b: {  	v5 =	vld [tilespmem:s26+$0x40]  }
0x7c: {  	v6 =	vld [tilespmem:s26+$0x50]  }
0x7d: {  	[tilespmem:s26+$0xC070] =	vst.add.f32.msk $0xffff, v0  }
0x7e: {  	v0 =	vld [tilespmem:s26+$0x60]  }
0x7f: {  	[tilespmem:s26+$0xC000] =	vst.add.f32.msk $0xffff, v1  }
0x80: {  	[tilespmem:s26+$0xC010] =	vst.add.f32.msk $0xffff, v2  }
0x81: {  	[tilespmem:s26+$0xC020] =	vst.add.f32.msk $0xffff, v3  }
0x82: {  	[tilespmem:s26+$0xC030] =	vst.add.f32.msk $0xffff, v4  }
0x83: {  	[tilespmem:s26+$0xC040] =	vst.add.f32.msk $0xffff, v5  }
0x84: {  	s28 =	simm.s32 $0x0;
	s29 =	simm.s32 $0x200;
	[tilespmem:s26+$0xC050] =	vst.add.f32.msk $0xffff, v6  }
.LBB2_6:
0x85: {  	s28 =	sadd.s32 $0x8, s28;
	[tilespmem:s26+$0xC060] =	vst.add.f32.msk $0xffff, v0;
	s26 =	sshra.s32 s29, $0x2  }
0x86: {  	v0 =	vld [tilespmem:s26+$0x70];
	p0 =	slt.u32 s28, $0x5F8  }
0x87: {  	v1 =	vld [tilespmem:s26+$0x0]  }
0x88: {  	v2 =	vld [tilespmem:s26+$0x10]  }
0x89: {  	v3 =	vld [tilespmem:s26+$0x20]  }
0x8a: {  	v4 =	vld [tilespmem:s26+$0x30]  }
0x8b: {  	[tilespmem:s26+$0xC070] =	vst.add.f32.msk $0xffff, v0  }
0x8c: {  	v5 =	vld [tilespmem:s26+$0x40]  }
0x8d: {  	v6 =	vld [tilespmem:s26+$0x50]  }
0x8e: {  	v0 =	vld [tilespmem:s26+$0x60]  }
0x8f: {  	[tilespmem:s26+$0xC000] =	vst.add.f32.msk $0xffff, v1  }
.Ltmp2:
0x90: {  	[tilespmem:s26+$0xC010] =	vst.add.f32.msk $0xffff, v2;
	(pc) =	sbr.rel @p0 .LBB2_6-.Ltmp2, $4  }
0x91: {  	[tilespmem:s26+$0xC020] =	vst.add.f32.msk $0xffff, v3  }
0x92: {  	[tilespmem:s26+$0xC030] =	vst.add.f32.msk $0xffff, v4  }
0x93: {  	[tilespmem:s26+$0xC040] =	vst.add.f32.msk $0xffff, v5  }
0x94: {  	s29 =	sadd.s32 $0x200, s29;
	[tilespmem:s26+$0xC050] =	vst.add.f32.msk $0xffff, v6  }
0x95: {  	[tilespmem:s26+$0xC060] =	vst.add.f32.msk $0xffff, v0;
	s31 =	simm.s32 $0x0  }
0x96: {  	[hbm4b:s13+s31] =	stream.linear.scatter [tilespmem:s16], [sflag:$0x5], $0x6000, $0x38;
	[tilespmem:$0x18000] =	vst v63  }
0x97: {  	_ =	swait.ge [sflag:s22], $0x6000  }
0x98: {  	[sflag:s22] =	ssyncset.done $0x0  }
0x99: {  	[sflag:s22] =	ssyncadd.s32 $0xFFFFA000  }
0x9a: {  	_ =	swait.ge [sflag:s23], $0x6000  }
0x9b: {  	[sflag:s23] =	ssyncset.done $0x0  }
0x9c: {  	s26 =	simm.s32 $0x0;
	[sflag:s23] =	ssyncadd.s32 $0xFFFFA000  }
0x9d: {  	v0 =	vld [tilespmem:s26+$0x6070]  }
0x9e: {  	v1 =	vld [tilespmem:s26+$0x6000]  }
0x9f: {  	v2 =	vld [tilespmem:s26+$0x6010]  }
0xa0: {  	v3 =	vld [tilespmem:s26+$0x6020]  }
0xa1: {  	v4 =	vld [tilespmem:s26+$0x6030]  }
0xa2: {  	v5 =	vld [tilespmem:s26+$0x6040]  }
0xa3: {  	v6 =	vld [tilespmem:s26+$0x6050]  }
0xa4: {  	[tilespmem:s26+$0x12070] =	vst.add.f32.msk $0xffff, v0  }
0xa5: {  	v0 =	vld [tilespmem:s26+$0x6060]  }
0xa6: {  	[tilespmem:s26+$0x12000] =	vst.add.f32.msk $0xffff, v1  }
0xa7: {  	[tilespmem:s26+$0x12010] =	vst.add.f32.msk $0xffff, v2  }
0xa8: {  	[tilespmem:s26+$0x12020] =	vst.add.f32.msk $0xffff, v3  }
0xa9: {  	[tilespmem:s26+$0x12030] =	vst.add.f32.msk $0xffff, v4  }
0xaa: {  	[tilespmem:s26+$0x12040] =	vst.add.f32.msk $0xffff, v5  }
0xab: {  	s28 =	simm.s32 $0x0;
	s29 =	simm.s32 $0x200;
	[tilespmem:s26+$0x12050] =	vst.add.f32.msk $0xffff, v6  }
.LBB2_8:
0xac: {  	s28 =	sadd.s32 $0x8, s28;
	[tilespmem:s26+$0x12060] =	vst.add.f32.msk $0xffff, v0;
	s26 =	sshra.s32 s29, $0x2  }
0xad: {  	v0 =	vld [tilespmem:s26+$0x6070];
	p0 =	slt.u32 s28, $0x5F8  }
0xae: {  	v1 =	vld [tilespmem:s26+$0x6000]  }
0xaf: {  	v2 =	vld [tilespmem:s26+$0x6010]  }
0xb0: {  	v3 =	vld [tilespmem:s26+$0x6020]  }
0xb1: {  	v4 =	vld [tilespmem:s26+$0x6030]  }
0xb2: {  	[tilespmem:s26+$0x12070] =	vst.add.f32.msk $0xffff, v0  }
0xb3: {  	v5 =	vld [tilespmem:s26+$0x6040]  }
0xb4: {  	v6 =	vld [tilespmem:s26+$0x6050]  }
0xb5: {  	v0 =	vld [tilespmem:s26+$0x6060]  }
0xb6: {  	[tilespmem:s26+$0x12000] =	vst.add.f32.msk $0xffff, v1  }
.Ltmp3:
0xb7: {  	[tilespmem:s26+$0x12010] =	vst.add.f32.msk $0xffff, v2;
	(pc) =	sbr.rel @p0 .LBB2_8-.Ltmp3, $4  }
0xb8: {  	[tilespmem:s26+$0x12020] =	vst.add.f32.msk $0xffff, v3  }
0xb9: {  	[tilespmem:s26+$0x12030] =	vst.add.f32.msk $0xffff, v4  }
0xba: {  	[tilespmem:s26+$0x12040] =	vst.add.f32.msk $0xffff, v5  }
0xbb: {  	s29 =	sadd.s32 $0x200, s29;
	[tilespmem:s26+$0x12050] =	vst.add.f32.msk $0xffff, v6  }
0xbc: {  	[tilespmem:s26+$0x12060] =	vst.add.f32.msk $0xffff, v0;
	s25 =	sadd.s32 $0x1, s25  }
0xbd: {  	[hbm4b:s14+s2] =	stream.linear.scatter [tilespmem:s18], [sflag:$0x6], $0x6000, $0x38;
	[tilespmem:$0x18000] =	vst v63  }
0xbe: {  	p0 =	sne.s32 s25, s15;
	_ =	swait.ge [sflag:s21], $0x6000  }
.Ltmp4:
0xbf: {  	[sflag:s21] =	ssyncset.done $0x0;
	(pc) =	sbr.rel @p0 .LBB2_1-.Ltmp4, $4  }
0xc0: {  	[sflag:s21] =	ssyncadd.s32 $0xFFFFA000  }
0xc1: {  	_ =	swait.ge [sflag:s24], $0x6000  }
0xc2: {  	[sflag:s24] =	ssyncset.done $0x0  }
0xc3: {  	[sflag:s24] =	ssyncadd.s32 $0xFFFFA000  }
0xc4: {  	_ =	sfence.sel $0x180000  }
0xc5: {  	[bflag:$0x0] =	sbarrier.arrive $0xFFFF  }
0xc6: {  	p0 =	sne.s32 s0, $0x0;
	_ =	strace $0x90000047  }
0xc7: {  	s0 =	sadd.s32 @!p0 $0x100000, s1;
	[bflag:$0x2] =	sbarrier.arrive $0xFFFF  }
0xc8: {  	[sflag:s0] =	ssyncadd.tile.s32 @!p0 $0x1;
	_ =	shalt  }
.Lfunc_end2:
_tile_overlayer_lowered:
.L_overlay_start_2:
0xc9: {  	(tag) =	ssettag $0x2  }
0xca: {  	s0 =	rddreg [dreg:$0x0];
	s2 =	stileid.u32  }
0xcb: {  	s1 =	rddreg [dreg:$0x1];
	p0 =	sne.s32 s2, $0x0  }
0xcc: {  	s3 =	rddreg [dreg:$0x2];
	[bflag:$0x3] =	sbarrier.arrive $0xFFFF;
	s2 =	simm.s32 @!p0 $0x1C07  }
0xcd: {  	[timem:s3], [sflag:s2] =	dma.local @!p0 [hbm:s0], s1  }
0xce: {  	s0 =	simm.s32 @!p0 $0x7  }
0xcf: {  	_ =	swait.ge @!p0 [sflag:s0], s1  }
0xd0: {  	s1 =	ssub.s32 @!p0 $0x0, s1;
	[sflag:s0] =	ssyncset.done @!p0 $0x0  }
0xd1: {  	[sflag:s0] =	ssyncadd.s32 @!p0 s1  }
0xd2: {  	[bflag:$0x3] =	sbarrier.arrive $0xFFFF  }
0xd3: {  	_ =	shalt  }

</sc_bundles>
